<compile_context>
chip_gen: v7x
topology: tpu7x:2x2x1
jax: 0.10.2.dev20260603
libtpu: 0.0.44.dev20260713+nightly
codegen_flags: <defaults>
</compile_context>

<pallas_src>
import math

import jax
import jax.numpy as jnp
from jax.experimental import pallas as pl
from jax.experimental.pallas import tpu as pltpu

_MODES = 8
_NC = 2 * _MODES


def _split_bf16(a):
    hi = a.astype(jnp.bfloat16).astype(jnp.float32)
    return hi, a - hi


def _fca_kernel(q_ref, wr_ref, wi_ref, bf_ref, bic_ref, out_ref, x_scr, c_scr):
    i = pl.program_id(0)
    np_ = x_scr.shape[0]

    @pl.when(i < np_)
    def _forward():
        x = q_ref[0]
        bf2 = bf_ref[...]
        x2 = jax.lax.dot_general(bf2, x, (((1,), (0,)), ((), ())),
                                 preferred_element_type=jnp.float32)
        x_scr[pl.ds(i, 1)] = (x2[:_NC] + x2[_NC:])[None]

    @pl.when(i == np_)
    def _mix():
        dot = lambda a, b: jax.lax.dot_general(
            a, b, (((1,), (0,)), ((), ())),
            preferred_element_type=jnp.float32)
        for m in range(_MODES):
            s = jnp.concatenate([x_scr[:, m, :], x_scr[:, _MODES + m, :]],
                                axis=0)
            a = dot(s, wr_ref[m])
            b = dot(s, wi_ref[m])
            c_scr[:, m, :] = a[:np_] - b[np_:]
            c_scr[:, _MODES + m, :] = b[:np_] + a[np_:]

    @pl.when(i > np_)
    def _inverse():
        p = i - np_ - 1
        c = c_scr[pl.ds(p, 1)][0]
        ch, cl = _split_bf16(c)
        cs = jnp.concatenate([ch, ch, cl], axis=0)
        bic = bic_ref[...]
        out = jax.lax.dot_general(bic, cs, (((1,), (0,)), ((), ())),
                                  preferred_element_type=jnp.float32)
        out_ref[0] = out


def kernel(q, k, v, mask, weights1_real, weights1_imag):
    del k, v, mask
    B, L, H, E = q.shape
    M = _MODES
    NP = B * H

    mi = jnp.arange(M, dtype=jnp.int32)
    li = jnp.arange(L, dtype=jnp.int32)
    phase = (mi[:, None] * li[None, :]) % L
    ang = phase.astype(jnp.float32) * jnp.float32(2.0 * math.pi / L)
    c = jnp.cos(ang)
    s = jnp.sin(ang)
    bf = jnp.concatenate([c, -s], axis=0)
    bf_h, bf_l = _split_bf16(bf)
    bf2 = jnp.concatenate([bf_h, bf_l], axis=0)

    sc = jnp.full((M, 1), 2.0 / L, dtype=jnp.float32).at[0, 0].set(1.0 / L)
    si = jnp.full((M, 1), -1.0 / L, dtype=jnp.float32).at[0, 0].set(0.0)
    bi = jnp.concatenate([sc * c, si * s], axis=0).T
    bi_h, bi_l = _split_bf16(bi)
    bic = jnp.concatenate([bi_h, bi_l, bi_h], axis=1)

    q3 = q.reshape(B, L, H * E)
    last = NP - 1
    out = pl.pallas_call(
        _fca_kernel,
        grid=(2 * NP + 1,),
        in_specs=[
            pl.BlockSpec((1, L, E),
                         lambda i: (jnp.minimum(i, last) // H, 0,
                                    jnp.minimum(i, last) % H)),
            pl.BlockSpec((M, E, E), lambda i: (0, 0, 0)),
            pl.BlockSpec((M, E, E), lambda i: (0, 0, 0)),
            pl.BlockSpec((2 * _NC, L), lambda i: (0, 0)),
            pl.BlockSpec((L, 3 * _NC), lambda i: (0, 0)),
        ],
        out_specs=pl.BlockSpec(
            (1, L, E),
            lambda i: (jnp.clip(i - NP - 1, 0, last) // H, 0,
                       jnp.clip(i - NP - 1, 0, last) % H)),
        out_shape=jax.ShapeDtypeStruct((B, L, H * E), jnp.float32),
        scratch_shapes=[
            pltpu.VMEM((NP, _NC, E), jnp.float32),
            pltpu.VMEM((NP, _NC, E), jnp.float32),
        ],
    )(q3, weights1_real, weights1_imag, bf2, bic)
    return out.reshape(B, L, H, E)

# --- scband reference (transcript-rebuilt; emitter-appended) ---
"""Pipeline reference for scband-fourier-cross-attention-85907935855003 (READ-ONLY COPY).

The authoritative reference and input builder live on the scoring server;
editing this copy changes nothing except your own understanding.
"""

import jax, jax.numpy as jnp
import numpy as np

IN_CHANNELS = 2048
OUT_CHANNELS = 2048
MODES = 8


def setup_inputs(seed: int = 0) -> dict:
    key = jax.random.key(seed)
    kq, kk, kv, kwr, kwi = jax.random.split(key, 5)
    B, L, H, E = 2, 4096, 8, 256
    q = jax.random.normal(kq, (B, L, H, E), dtype=jnp.float32)
    k = jax.random.normal(kk, (B, L, H, E), dtype=jnp.float32)
    v = jax.random.normal(kv, (B, L, H, E), dtype=jnp.float32)
    mask = jnp.zeros((1,), dtype=jnp.float32)
    scale = 1.0 / (IN_CHANNELS * OUT_CHANNELS)
    # torch.rand on cfloat draws real and imag parts independently from U[0,1)
    wr = scale * jax.random.uniform(kwr, (8, IN_CHANNELS // 8, OUT_CHANNELS // 8), dtype=jnp.float32)
    wi = scale * jax.random.uniform(kwi, (8, IN_CHANNELS // 8, OUT_CHANNELS // 8), dtype=jnp.float32)
    return {"q": q, "k": k, "v": v, "mask": mask, "weights1_real": wr, "weights1_imag": wi}


def reference(q, k, v, mask, weights1_real, weights1_imag):
    B, L, H, E = q.shape
    # permute to [B, H, E, L]
    xq = jnp.transpose(q, (0, 2, 3, 1))
    xq_ft = jnp.fft.rfft(xq, axis=-1)  # [B, H, E, L//2+1] complex
    w = weights1_real.astype(jnp.complex64) + 1j * weights1_imag.astype(jnp.complex64)  # [8, E, E]
    Lf = L // 2 + 1
    modes = min(MODES, Lf)
    # mode_select_method == 'low': index_list = range(modes)
    xq_ft_ = jnp.zeros((B, H, E, Lf), dtype=jnp.complex64)
    for i in range(modes):
        mode_idx = i
        # compl_mul1d: per-selected-mode complex channel mix (einsum 'bix,iox->box' with per-mode 2D weight -> 'bhe,eo->bho')
        out_i = jnp.einsum('bhe,eo->bho', xq_ft[:, :, :, mode_idx], w[i])
        xq_ft_ = xq_ft_.at[:, :, :, mode_idx].set(out_i)
    xqo = jnp.fft.irfft(xq_ft_, n=L, axis=-1)  # [B, H, E, L]
    xqo = jnp.transpose(xqo, (0, 3, 1, 2))  # [B, L, H, E]
    return xqo

if __name__ == "__main__":
    import jax
    _d = setup_inputs()
    print(jax.jit(kernel)(*tuple(_d.values())))

</pallas_src>

<mosaic_0001>
module attributes {stable_mosaic.version = 14 : i64} {
  func.func @_fca_kernel(%arg0: i32, %arg1: memref<1x4096x256xf32, #tpu.memory_space<vmem>>, %arg2: memref<8x256x256xf32, #tpu.memory_space<vmem>>, %arg3: memref<8x256x256xf32, #tpu.memory_space<vmem>>, %arg4: memref<32x4096xf32, #tpu.memory_space<vmem>>, %arg5: memref<4096x48xf32, #tpu.memory_space<vmem>>, %arg6: memref<1x4096x256xf32, #tpu.memory_space<vmem>>, %arg7: memref<16x16x256xf32, #tpu.memory_space<vmem>>, %arg8: memref<16x16x256xf32, #tpu.memory_space<vmem>>) attributes {dimension_semantics = [#tpu.dimension_semantics<arbitrary>], iteration_bounds = array<i64: 33>, scalar_prefetch = 0 : i64, scratch_operands = 2 : i64, tpu.core_type = #tpu.core_type<tc>, window_params = [{transform_indices = @transform_0, window_bounds = array<i64: 1, 4096, 256>}, {pipeline_mode = #tpu.pipeline_mode<synchronous>, transform_indices = @transform_1, window_bounds = array<i64: 8, 256, 256>}, {pipeline_mode = #tpu.pipeline_mode<synchronous>, transform_indices = @transform_2, window_bounds = array<i64: 8, 256, 256>}, {pipeline_mode = #tpu.pipeline_mode<synchronous>, transform_indices = @transform_3, window_bounds = array<i64: 32, 4096>}, {pipeline_mode = #tpu.pipeline_mode<synchronous>, transform_indices = @transform_4, window_bounds = array<i64: 4096, 48>}, {transform_indices = @transform_5, window_bounds = array<i64: 1, 4096, 256>}]} {
    %lt3A = arith.constant 16 : i32
    %lt3A_0 = arith.cmpi slt, %arg0, %lt3A : i32
    %convert_element_type3A = arith.extui %lt3A_0 : i1 to i32
    %cond3A = arith.constant 0 : i32
    %cond3A_1 = arith.cmpi ne, %convert_element_type3A, %cond3A : i32
    scf.if %cond3A_1 {
      %get3A = arith.constant 0 : index
      %get3A_10 = arith.constant 0 : index
      %get3A_11 = arith.constant 0 : index
      %get3A_12 = vector.load %arg1[%get3A, %get3A_10, %get3A_11] : memref<1x4096x256xf32, #tpu.memory_space<vmem>>, vector<1x4096x256xf32>
      %get3A_13 = vector.shape_cast %get3A_12 : vector<1x4096x256xf32> to vector<4096x256xf32>
      %get3A_14 = arith.constant 0 : index
      %get3A_15 = arith.constant 0 : index
      %get3A_16 = vector.load %arg4[%get3A_14, %get3A_15] : memref<32x4096xf32, #tpu.memory_space<vmem>>, vector<32x4096xf32>
      %dot_general3A = arith.constant dense<0.000000e+00> : vector<32x256xf32>
      %dot_general3A_17 = tpu.matmul %get3A_16, %get3A_13, %dot_general3A {dimension_numbers = #tpu.dot_dimension_numbers<[1], [0], [0], [1], [0, 0, 1, 1], [], []>, transpose_lhs_hint = false} : vector<32x4096xf32>, vector<4096x256xf32>, vector<32x256xf32> -> vector<32x256xf32>
      %slice3A = vector.extract_strided_slice %dot_general3A_17 {offsets = [0, 0], sizes = [16, 256], strides = [1, 1]} : vector<32x256xf32> to vector<16x256xf32>
      %slice3A_18 = vector.extract_strided_slice %dot_general3A_17 {offsets = [16, 0], sizes = [16, 256], strides = [1, 1]} : vector<32x256xf32> to vector<16x256xf32>
      %add3A = arith.addf %slice3A, %slice3A_18 : vector<16x256xf32>
      %broadcast_in_dim3A = vector.shape_cast %add3A : vector<16x256xf32> to vector<1x16x256xf32>
      %swap3A = arith.index_cast %arg0 : i32 to index
      %swap3A_19 = arith.constant 0 : index
      %swap3A_20 = arith.constant 0 : index
      %swap3A_21 = vector.load %arg7[%swap3A, %swap3A_19, %swap3A_20] : memref<16x16x256xf32, #tpu.memory_space<vmem>>, vector<1x16x256xf32>
      tpu.vector_store %arg7[%swap3A, %swap3A_19, %swap3A_20], %broadcast_in_dim3A {strides = array<i32>} : memref<16x16x256xf32, #tpu.memory_space<vmem>>, vector<1x16x256xf32>,
    } else {
    }
    %eq3A = arith.constant 16 : i32
    %eq3A_2 = arith.cmpi eq, %arg0, %eq3A : i32
    %convert_element_type3A_3 = arith.extui %eq3A_2 : i1 to i32
    %cond3A_4 = arith.constant 0 : i32
    %cond3A_5 = arith.cmpi ne, %convert_element_type3A_3, %cond3A_4 : i32
    scf.if %cond3A_5 {
      %get3A = arith.constant 0 : index
      %get3A_10 = arith.constant 0 : index
      %get3A_11 = arith.constant 0 : index
      %get3A_12 = vector.load %arg7[%get3A, %get3A_10, %get3A_11] : memref<16x16x256xf32, #tpu.memory_space<vmem>>, vector<16x1x256xf32>
      %get3A_13 = vector.shape_cast %get3A_12 : vector<16x1x256xf32> to vector<16x256xf32>
      %get3A_14 = arith.constant 0 : index
      %get3A_15 = arith.constant 8 : index
      %get3A_16 = arith.constant 0 : index
      %get3A_17 = vector.load %arg7[%get3A_14, %get3A_15, %get3A_16] : memref<16x16x256xf32, #tpu.memory_space<vmem>>, vector<16x1x256xf32>
      %get3A_18 = vector.shape_cast %get3A_17 : vector<16x1x256xf32> to vector<16x256xf32>
      %concatenate3A = tpu.concatenate %get3A_13, %get3A_18 in 0 : vector<16x256xf32>, vector<16x256xf32> -> vector<32x256xf32>
      %get3A_19 = arith.constant 0 : index
      %get3A_20 = arith.constant 0 : index
      %get3A_21 = arith.constant 0 : index
      %get3A_22 = vector.load %arg2[%get3A_19, %get3A_20, %get3A_21] : memref<8x256x256xf32, #tpu.memory_space<vmem>>, vector<1x256x256xf32>
      %get3A_23 = vector.shape_cast %get3A_22 : vector<1x256x256xf32> to vector<256x256xf32>
      %dot_general3A = arith.constant dense<0.000000e+00> : vector<32x256xf32>
      %dot_general3A_24 = tpu.matmul %concatenate3A, %get3A_23, %dot_general3A {dimension_numbers = #tpu.dot_dimension_numbers<[1], [0], [0], [1], [0, 0, 1, 1], [], []>, transpose_lhs_hint = false} : vector<32x256xf32>, vector<256x256xf32>, vector<32x256xf32> -> vector<32x256xf32>
      %get3A_25 = arith.constant 0 : index
      %get3A_26 = arith.constant 0 : index
      %get3A_27 = arith.constant 0 : index
      %get3A_28 = vector.load %arg3[%get3A_25, %get3A_26, %get3A_27] : memref<8x256x256xf32, #tpu.memory_space<vmem>>, vector<1x256x256xf32>
      %get3A_29 = vector.shape_cast %get3A_28 : vector<1x256x256xf32> to vector<256x256xf32>
      %dot_general3A_30 = arith.constant dense<0.000000e+00> : vector<32x256xf32>
      %dot_general3A_31 = tpu.matmul %concatenate3A, %get3A_29, %dot_general3A_30 {dimension_numbers = #tpu.dot_dimension_numbers<[1], [0], [0], [1], [0, 0, 1, 1], [], []>, transpose_lhs_hint = false} : vector<32x256xf32>, vector<256x256xf32>, vector<32x256xf32> -> vector<32x256xf32>
      %slice3A = vector.extract_strided_slice %dot_general3A_24 {offsets = [0, 0], sizes = [16, 256], strides = [1, 1]} : vector<32x256xf32> to vector<16x256xf32>
      %slice3A_32 = vector.extract_strided_slice %dot_general3A_31 {offsets = [16, 0], sizes = [16, 256], strides = [1, 1]} : vector<32x256xf32> to vector<16x256xf32>
      %sub3A = arith.subf %slice3A, %slice3A_32 : vector<16x256xf32>
      %swap3A = arith.constant 0 : index
      %swap3A_33 = arith.constant 0 : index
      %swap3A_34 = arith.constant 0 : index
      %swap3A_35 = vector.load %arg8[%swap3A, %swap3A_33, %swap3A_34] : memref<16x16x256xf32, #tpu.memory_space<vmem>>, vector<16x1x256xf32>
      %swap3A_36 = vector.shape_cast %swap3A_35 : vector<16x1x256xf32> to vector<16x256xf32>
      %swap3A_37 = vector.shape_cast %sub3A : vector<16x256xf32> to vector<16x1x256xf32>
      tpu.vector_store %arg8[%swap3A, %swap3A_33, %swap3A_34], %swap3A_37 {strides = array<i32>} : memref<16x16x256xf32, #tpu.memory_space<vmem>>, vector<16x1x256xf32>,
      %slice3A_38 = vector.extract_strided_slice %dot_general3A_31 {offsets = [0, 0], sizes = [16, 256], strides = [1, 1]} : vector<32x256xf32> to vector<16x256xf32>
      %slice3A_39 = vector.extract_strided_slice %dot_general3A_24 {offsets = [16, 0], sizes = [16, 256], strides = [1, 1]} : vector<32x256xf32> to vector<16x256xf32>
      %add3A = arith.addf %slice3A_38, %slice3A_39 : vector<16x256xf32>
      %swap3A_40 = arith.constant 0 : index
      %swap3A_41 = arith.constant 8 : index
      %swap3A_42 = arith.constant 0 : index
      %swap3A_43 = vector.load %arg8[%swap3A_40, %swap3A_41, %swap3A_42] : memref<16x16x256xf32, #tpu.memory_space<vmem>>, vector<16x1x256xf32>
      %swap3A_44 = vector.shape_cast %swap3A_43 : vector<16x1x256xf32> to vector<16x256xf32>
      %swap3A_45 = vector.shape_cast %add3A : vector<16x256xf32> to vector<16x1x256xf32>
      tpu.vector_store %arg8[%swap3A_40, %swap3A_41, %swap3A_42], %swap3A_45 {strides = array<i32>} : memref<16x16x256xf32, #tpu.memory_space<vmem>>, vector<16x1x256xf32>,
      %get3A_46 = arith.constant 0 : index
      %get3A_47 = arith.constant 1 : index
      %get3A_48 = arith.constant 0 : index
      %get3A_49 = vector.load %arg7[%get3A_46, %get3A_47, %get3A_48] : memref<16x16x256xf32, #tpu.memory_space<vmem>>, vector<16x1x256xf32>
      %get3A_50 = vector.shape_cast %get3A_49 : vector<16x1x256xf32> to vector<16x256xf32>
      %get3A_51 = arith.constant 0 : index
      %get3A_52 = arith.constant 9 : index
      %get3A_53 = arith.constant 0 : index
      %get3A_54 = vector.load %arg7[%get3A_51, %get3A_52, %get3A_53] : memref<16x16x256xf32, #tpu.memory_space<vmem>>, vector<16x1x256xf32>
      %get3A_55 = vector.shape_cast %get3A_54 : vector<16x1x256xf32> to vector<16x256xf32>
      %concatenate3A_56 = tpu.concatenate %get3A_50, %get3A_55 in 0 : vector<16x256xf32>, vector<16x256xf32> -> vector<32x256xf32>
      %get3A_57 = arith.constant 1 : index
      %get3A_58 = arith.constant 0 : index
      %get3A_59 = arith.constant 0 : index
      %get3A_60 = vector.load %arg2[%get3A_57, %get3A_58, %get3A_59] : memref<8x256x256xf32, #tpu.memory_space<vmem>>, vector<1x256x256xf32>
      %get3A_61 = vector.shape_cast %get3A_60 : vector<1x256x256xf32> to vector<256x256xf32>
      %dot_general3A_62 = arith.constant dense<0.000000e+00> : vector<32x256xf32>
      %dot_general3A_63 = tpu.matmul %concatenate3A_56, %get3A_61, %dot_general3A_62 {dimension_numbers = #tpu.dot_dimension_numbers<[1], [0], [0], [1], [0, 0, 1, 1], [], []>, transpose_lhs_hint = false} : vector<32x256xf32>, vector<256x256xf32>, vector<32x256xf32> -> vector<32x256xf32>
      %get3A_64 = arith.constant 1 : index
      %get3A_65 = arith.constant 0 : index
      %get3A_66 = arith.constant 0 : index
      %get3A_67 = vector.load %arg3[%get3A_64, %get3A_65, %get3A_66] : memref<8x256x256xf32, #tpu.memory_space<vmem>>, vector<1x256x256xf32>
      %get3A_68 = vector.shape_cast %get3A_67 : vector<1x256x256xf32> to vector<256x256xf32>
      %dot_general3A_69 = arith.constant dense<0.000000e+00> : vector<32x256xf32>
      %dot_general3A_70 = tpu.matmul %concatenate3A_56, %get3A_68, %dot_general3A_69 {dimension_numbers = #tpu.dot_dimension_numbers<[1], [0], [0], [1], [0, 0, 1, 1], [], []>, transpose_lhs_hint = false} : vector<32x256xf32>, vector<256x256xf32>, vector<32x256xf32> -> vector<32x256xf32>
      %slice3A_71 = vector.extract_strided_slice %dot_general3A_63 {offsets = [0, 0], sizes = [16, 256], strides = [1, 1]} : vector<32x256xf32> to vector<16x256xf32>
      %slice3A_72 = vector.extract_strided_slice %dot_general3A_70 {offsets = [16, 0], sizes = [16, 256], strides = [1, 1]} : vector<32x256xf32> to vector<16x256xf32>
      %sub3A_73 = arith.subf %slice3A_71, %slice3A_72 : vector<16x256xf32>
      %swap3A_74 = arith.constant 0 : index
      %swap3A_75 = arith.constant 1 : index
      %swap3A_76 = arith.constant 0 : index
      %swap3A_77 = vector.load %arg8[%swap3A_74, %swap3A_75, %swap3A_76] : memref<16x16x256xf32, #tpu.memory_space<vmem>>, vector<16x1x256xf32>
      %swap3A_78 = vector.shape_cast %swap3A_77 : vector<16x1x256xf32> to vector<16x256xf32>
      %swap3A_79 = vector.shape_cast %sub3A_73 : vector<16x256xf32> to vector<16x1x256xf32>
      tpu.vector_store %arg8[%swap3A_74, %swap3A_75, %swap3A_76], %swap3A_79 {strides = array<i32>} : memref<16x16x256xf32, #tpu.memory_space<vmem>>, vector<16x1x256xf32>,
      %slice3A_80 = vector.extract_strided_slice %dot_general3A_70 {offsets = [0, 0], sizes = [16, 256], strides = [1, 1]} : vector<32x256xf32> to vector<16x256xf32>
      %slice3A_81 = vector.extract_strided_slice %dot_general3A_63 {offsets = [16, 0], sizes = [16, 256], strides = [1, 1]} : vector<32x256xf32> to vector<16x256xf32>
      %add3A_82 = arith.addf %slice3A_80, %slice3A_81 : vector<16x256xf32>
      %swap3A_83 = arith.constant 0 : index
      %swap3A_84 = arith.constant 9 : index
      %swap3A_85 = arith.constant 0 : index
      %swap3A_86 = vector.load %arg8[%swap3A_83, %swap3A_84, %swap3A_85] : memref<16x16x256xf32, #tpu.memory_space<vmem>>, vector<16x1x256xf32>
      %swap3A_87 = vector.shape_cast %swap3A_86 : vector<16x1x256xf32> to vector<16x256xf32>
      %swap3A_88 = vector.shape_cast %add3A_82 : vector<16x256xf32> to vector<16x1x256xf32>
      tpu.vector_store %arg8[%swap3A_83, %swap3A_84, %swap3A_85], %swap3A_88 {strides = array<i32>} : memref<16x16x256xf32, #tpu.memory_space<vmem>>, vector<16x1x256xf32>,
      %get3A_89 = arith.constant 0 : index
      %get3A_90 = arith.constant 2 : index
      %get3A_91 = arith.constant 0 : index
      %get3A_92 = vector.load %arg7[%get3A_89, %get3A_90, %get3A_91] : memref<16x16x256xf32, #tpu.memory_space<vmem>>, vector<16x1x256xf32>
      %get3A_93 = vector.shape_cast %get3A_92 : vector<16x1x256xf32> to vector<16x256xf32>
      %get3A_94 = arith.constant 0 : index
      %get3A_95 = arith.constant 10 : index
      %get3A_96 = arith.constant 0 : index
      %get3A_97 = vector.load %arg7[%get3A_94, %get3A_95, %get3A_96] : memref<16x16x256xf32, #tpu.memory_space<vmem>>, vector<16x1x256xf32>
      %get3A_98 = vector.shape_cast %get3A_97 : vector<16x1x256xf32> to vector<16x256xf32>
      %concatenate3A_99 = tpu.concatenate %get3A_93, %get3A_98 in 0 : vector<16x256xf32>, vector<16x256xf32> -> vector<32x256xf32>
      %get3A_100 = arith.constant 2 : index
      %get3A_101 = arith.constant 0 : index
      %get3A_102 = arith.constant 0 : index
      %get3A_103 = vector.load %arg2[%get3A_100, %get3A_101, %get3A_102] : memref<8x256x256xf32, #tpu.memory_space<vmem>>, vector<1x256x256xf32>
      %get3A_104 = vector.shape_cast %get3A_103 : vector<1x256x256xf32> to vector<256x256xf32>
      %dot_general3A_105 = arith.constant dense<0.000000e+00> : vector<32x256xf32>
      %dot_general3A_106 = tpu.matmul %concatenate3A_99, %get3A_104, %dot_general3A_105 {dimension_numbers = #tpu.dot_dimension_numbers<[1], [0], [0], [1], [0, 0, 1, 1], [], []>, transpose_lhs_hint = false} : vector<32x256xf32>, vector<256x256xf32>, vector<32x256xf32> -> vector<32x256xf32>
      %get3A_107 = arith.constant 2 : index
      %get3A_108 = arith.constant 0 : index
      %get3A_109 = arith.constant 0 : index
      %get3A_110 = vector.load %arg3[%get3A_107, %get3A_108, %get3A_109] : memref<8x256x256xf32, #tpu.memory_space<vmem>>, vector<1x256x256xf32>
      %get3A_111 = vector.shape_cast %get3A_110 : vector<1x256x256xf32> to vector<256x256xf32>
      %dot_general3A_112 = arith.constant dense<0.000000e+00> : vector<32x256xf32>
      %dot_general3A_113 = tpu.matmul %concatenate3A_99, %get3A_111, %dot_general3A_112 {dimension_numbers = #tpu.dot_dimension_numbers<[1], [0], [0], [1], [0, 0, 1, 1], [], []>, transpose_lhs_hint = false} : vector<32x256xf32>, vector<256x256xf32>, vector<32x256xf32> -> vector<32x256xf32>
      %slice3A_114 = vector.extract_strided_slice %dot_general3A_106 {offsets = [0, 0], sizes = [16, 256], strides = [1, 1]} : vector<32x256xf32> to vector<16x256xf32>
      %slice3A_115 = vector.extract_strided_slice %dot_general3A_113 {offsets = [16, 0], sizes = [16, 256], strides = [1, 1]} : vector<32x256xf32> to vector<16x256xf32>
      %sub3A_116 = arith.subf %slice3A_114, %slice3A_115 : vector<16x256xf32>
      %swap3A_117 = arith.constant 0 : index
      %swap3A_118 = arith.constant 2 : index
      %swap3A_119 = arith.constant 0 : index
      %swap3A_120 = vector.load %arg8[%swap3A_117, %swap3A_118, %swap3A_119] : memref<16x16x256xf32, #tpu.memory_space<vmem>>, vector<16x1x256xf32>
      %swap3A_121 = vector.shape_cast %swap3A_120 : vector<16x1x256xf32> to vector<16x256xf32>
      %swap3A_122 = vector.shape_cast %sub3A_116 : vector<16x256xf32> to vector<16x1x256xf32>
      tpu.vector_store %arg8[%swap3A_117, %swap3A_118, %swap3A_119], %swap3A_122 {strides = array<i32>} : memref<16x16x256xf32, #tpu.memory_space<vmem>>, vector<16x1x256xf32>,
      %slice3A_123 = vector.extract_strided_slice %dot_general3A_113 {offsets = [0, 0], sizes = [16, 256], strides = [1, 1]} : vector<32x256xf32> to vector<16x256xf32>
      %slice3A_124 = vector.extract_strided_slice %dot_general3A_106 {offsets = [16, 0], sizes = [16, 256], strides = [1, 1]} : vector<32x256xf32> to vector<16x256xf32>
      %add3A_125 = arith.addf %slice3A_123, %slice3A_124 : vector<16x256xf32>
      %swap3A_126 = arith.constant 0 : index
      %swap3A_127 = arith.constant 10 : index
      %swap3A_128 = arith.constant 0 : index
      %swap3A_129 = vector.load %arg8[%swap3A_126, %swap3A_127, %swap3A_128] : memref<16x16x256xf32, #tpu.memory_space<vmem>>, vector<16x1x256xf32>
      %swap3A_130 = vector.shape_cast %swap3A_129 : vector<16x1x256xf32> to vector<16x256xf32>
      %swap3A_131 = vector.shape_cast %add3A_125 : vector<16x256xf32> to vector<16x1x256xf32>
      tpu.vector_store %arg8[%swap3A_126, %swap3A_127, %swap3A_128], %swap3A_131 {strides = array<i32>} : memref<16x16x256xf32, #tpu.memory_space<vmem>>, vector<16x1x256xf32>,
      %get3A_132 = arith.constant 0 : index
      %get3A_133 = arith.constant 3 : index
      %get3A_134 = arith.constant 0 : index
      %get3A_135 = vector.load %arg7[%get3A_132, %get3A_133, %get3A_134] : memref<16x16x256xf32, #tpu.memory_space<vmem>>, vector<16x1x256xf32>
      %get3A_136 = vector.shape_cast %get3A_135 : vector<16x1x256xf32> to vector<16x256xf32>
      %get3A_137 = arith.constant 0 : index
      %get3A_138 = arith.constant 11 : index
      %get3A_139 = arith.constant 0 : index
      %get3A_140 = vector.load %arg7[%get3A_137, %get3A_138, %get3A_139] : memref<16x16x256xf32, #tpu.memory_space<vmem>>, vector<16x1x256xf32>
      %get3A_141 = vector.shape_cast %get3A_140 : vector<16x1x256xf32> to vector<16x256xf32>
      %concatenate3A_142 = tpu.concatenate %get3A_136, %get3A_141 in 0 : vector<16x256xf32>, vector<16x256xf32> -> vector<32x256xf32>
      %get3A_143 = arith.constant 3 : index
      %get3A_144 = arith.constant 0 : index
      %get3A_145 = arith.constant 0 : index
      %get3A_146 = vector.load %arg2[%get3A_143, %get3A_144, %get3A_145] : memref<8x256x256xf32, #tpu.memory_space<vmem>>, vector<1x256x256xf32>
      %get3A_147 = vector.shape_cast %get3A_146 : vector<1x256x256xf32> to vector<256x256xf32>
      %dot_general3A_148 = arith.constant dense<0.000000e+00> : vector<32x256xf32>
      %dot_general3A_149 = tpu.matmul %concatenate3A_142, %get3A_147, %dot_general3A_148 {dimension_numbers = #tpu.dot_dimension_numbers<[1], [0], [0], [1], [0, 0, 1, 1], [], []>, transpose_lhs_hint = false} : vector<32x256xf32>, vector<256x256xf32>, vector<32x256xf32> -> vector<32x256xf32>
      %get3A_150 = arith.constant 3 : index
      %get3A_151 = arith.constant 0 : index
      %get3A_152 = arith.constant 0 : index
      %get3A_153 = vector.load %arg3[%get3A_150, %get3A_151, %get3A_152] : memref<8x256x256xf32, #tpu.memory_space<vmem>>, vector<1x256x256xf32>
      %get3A_154 = vector.shape_cast %get3A_153 : vector<1x256x256xf32> to vector<256x256xf32>
      %dot_general3A_155 = arith.constant dense<0.000000e+00> : vector<32x256xf32>
      %dot_general3A_156 = tpu.matmul %concatenate3A_142, %get3A_154, %dot_general3A_155 {dimension_numbers = #tpu.dot_dimension_numbers<[1], [0], [0], [1], [0, 0, 1, 1], [], []>, transpose_lhs_hint = false} : vector<32x256xf32>, vector<256x256xf32>, vector<32x256xf32> -> vector<32x256xf32>
      %slice3A_157 = vector.extract_strided_slice %dot_general3A_149 {offsets = [0, 0], sizes = [16, 256], strides = [1, 1]} : vector<32x256xf32> to vector<16x256xf32>
      %slice3A_158 = vector.extract_strided_slice %dot_general3A_156 {offsets = [16, 0], sizes = [16, 256], strides = [1, 1]} : vector<32x256xf32> to vector<16x256xf32>
      %sub3A_159 = arith.subf %slice3A_157, %slice3A_158 : vector<16x256xf32>
      %swap3A_160 = arith.constant 0 : index
      %swap3A_161 = arith.constant 3 : index
      %swap3A_162 = arith.constant 0 : index
      %swap3A_163 = vector.load %arg8[%swap3A_160, %swap3A_161, %swap3A_162] : memref<16x16x256xf32, #tpu.memory_space<vmem>>, vector<16x1x256xf32>
      %swap3A_164 = vector.shape_cast %swap3A_163 : vector<16x1x256xf32> to vector<16x256xf32>
      %swap3A_165 = vector.shape_cast %sub3A_159 : vector<16x256xf32> to vector<16x1x256xf32>
      tpu.vector_store %arg8[%swap3A_160, %swap3A_161, %swap3A_162], %swap3A_165 {strides = array<i32>} : memref<16x16x256xf32, #tpu.memory_space<vmem>>, vector<16x1x256xf32>,
      %slice3A_166 = vector.extract_strided_slice %dot_general3A_156 {offsets = [0, 0], sizes = [16, 256], strides = [1, 1]} : vector<32x256xf32> to vector<16x256xf32>
      %slice3A_167 = vector.extract_strided_slice %dot_general3A_149 {offsets = [16, 0], sizes = [16, 256], strides = [1, 1]} : vector<32x256xf32> to vector<16x256xf32>
      %add3A_168 = arith.addf %slice3A_166, %slice3A_167 : vector<16x256xf32>
      %swap3A_169 = arith.constant 0 : index
      %swap3A_170 = arith.constant 11 : index
      %swap3A_171 = arith.constant 0 : index
      %swap3A_172 = vector.load %arg8[%swap3A_169, %swap3A_170, %swap3A_171] : memref<16x16x256xf32, #tpu.memory_space<vmem>>, vector<16x1x256xf32>
      %swap3A_173 = vector.shape_cast %swap3A_172 : vector<16x1x256xf32> to vector<16x256xf32>
      %swap3A_174 = vector.shape_cast %add3A_168 : vector<16x256xf32> to vector<16x1x256xf32>
      tpu.vector_store %arg8[%swap3A_169, %swap3A_170, %swap3A_171], %swap3A_174 {strides = array<i32>} : memref<16x16x256xf32, #tpu.memory_space<vmem>>, vector<16x1x256xf32>,
      %get3A_175 = arith.constant 0 : index
      %get3A_176 = arith.constant 4 : index
      %get3A_177 = arith.constant 0 : index
      %get3A_178 = vector.load %arg7[%get3A_175, %get3A_176, %get3A_177] : memref<16x16x256xf32, #tpu.memory_space<vmem>>, vector<16x1x256xf32>
      %get3A_179 = vector.shape_cast %get3A_178 : vector<16x1x256xf32> to vector<16x256xf32>
      %get3A_180 = arith.constant 0 : index
      %get3A_181 = arith.constant 12 : index
      %get3A_182 = arith.constant 0 : index
      %get3A_183 = vector.load %arg7[%get3A_180, %get3A_181, %get3A_182] : memref<16x16x256xf32, #tpu.memory_space<vmem>>, vector<16x1x256xf32>
      %get3A_184 = vector.shape_cast %get3A_183 : vector<16x1x256xf32> to vector<16x256xf32>
      %concatenate3A_185 = tpu.concatenate %get3A_179, %get3A_184 in 0 : vector<16x256xf32>, vector<16x256xf32> -> vector<32x256xf32>
      %get3A_186 = arith.constant 4 : index
      %get3A_187 = arith.constant 0 : index
      %get3A_188 = arith.constant 0 : index
      %get3A_189 = vector.load %arg2[%get3A_186, %get3A_187, %get3A_188] : memref<8x256x256xf32, #tpu.memory_space<vmem>>, vector<1x256x256xf32>
      %get3A_190 = vector.shape_cast %get3A_189 : vector<1x256x256xf32> to vector<256x256xf32>
      %dot_general3A_191 = arith.constant dense<0.000000e+00> : vector<32x256xf32>
      %dot_general3A_192 = tpu.matmul %concatenate3A_185, %get3A_190, %dot_general3A_191 {dimension_numbers = #tpu.dot_dimension_numbers<[1], [0], [0], [1], [0, 0, 1, 1], [], []>, transpose_lhs_hint = false} : vector<32x256xf32>, vector<256x256xf32>, vector<32x256xf32> -> vector<32x256xf32>
      %get3A_193 = arith.constant 4 : index
      %get3A_194 = arith.constant 0 : index
      %get3A_195 = arith.constant 0 : index
      %get3A_196 = vector.load %arg3[%get3A_193, %get3A_194, %get3A_195] : memref<8x256x256xf32, #tpu.memory_space<vmem>>, vector<1x256x256xf32>
      %get3A_197 = vector.shape_cast %get3A_196 : vector<1x256x256xf32> to vector<256x256xf32>
      %dot_general3A_198 = arith.constant dense<0.000000e+00> : vector<32x256xf32>
      %dot_general3A_199 = tpu.matmul %concatenate3A_185, %get3A_197, %dot_general3A_198 {dimension_numbers = #tpu.dot_dimension_numbers<[1], [0], [0], [1], [0, 0, 1, 1], [], []>, transpose_lhs_hint = false} : vector<32x256xf32>, vector<256x256xf32>, vector<32x256xf32> -> vector<32x256xf32>
      %slice3A_200 = vector.extract_strided_slice %dot_general3A_192 {offsets = [0, 0], sizes = [16, 256], strides = [1, 1]} : vector<32x256xf32> to vector<16x256xf32>
      %slice3A_201 = vector.extract_strided_slice %dot_general3A_199 {offsets = [16, 0], sizes = [16, 256], strides = [1, 1]} : vector<32x256xf32> to vector<16x256xf32>
      %sub3A_202 = arith.subf %slice3A_200, %slice3A_201 : vector<16x256xf32>
      %swap3A_203 = arith.constant 0 : index
      %swap3A_204 = arith.constant 4 : index
      %swap3A_205 = arith.constant 0 : index
      %swap3A_206 = vector.load %arg8[%swap3A_203, %swap3A_204, %swap3A_205] : memref<16x16x256xf32, #tpu.memory_space<vmem>>, vector<16x1x256xf32>
      %swap3A_207 = vector.shape_cast %swap3A_206 : vector<16x1x256xf32> to vector<16x256xf32>
      %swap3A_208 = vector.shape_cast %sub3A_202 : vector<16x256xf32> to vector<16x1x256xf32>
      tpu.vector_store %arg8[%swap3A_203, %swap3A_204, %swap3A_205], %swap3A_208 {strides = array<i32>} : memref<16x16x256xf32, #tpu.memory_space<vmem>>, vector<16x1x256xf32>,
      %slice3A_209 = vector.extract_strided_slice %dot_general3A_199 {offsets = [0, 0], sizes = [16, 256], strides = [1, 1]} : vector<32x256xf32> to vector<16x256xf32>
      %slice3A_210 = vector.extract_strided_slice %dot_general3A_192 {offsets = [16, 0], sizes = [16, 256], strides = [1, 1]} : vector<32x256xf32> to vector<16x256xf32>
      %add3A_211 = arith.addf %slice3A_209, %slice3A_210 : vector<16x256xf32>
      %swap3A_212 = arith.constant 0 : index
      %swap3A_213 = arith.constant 12 : index
      %swap3A_214 = arith.constant 0 : index
      %swap3A_215 = vector.load %arg8[%swap3A_212, %swap3A_213, %swap3A_214] : memref<16x16x256xf32, #tpu.memory_space<vmem>>, vector<16x1x256xf32>
      %swap3A_216 = vector.shape_cast %swap3A_215 : vector<16x1x256xf32> to vector<16x256xf32>
      %swap3A_217 = vector.shape_cast %add3A_211 : vector<16x256xf32> to vector<16x1x256xf32>
      tpu.vector_store %arg8[%swap3A_212, %swap3A_213, %swap3A_214], %swap3A_217 {strides = array<i32>} : memref<16x16x256xf32, #tpu.memory_space<vmem>>, vector<16x1x256xf32>,
      %get3A_218 = arith.constant 0 : index
      %get3A_219 = arith.constant 5 : index
      %get3A_220 = arith.constant 0 : index
      %get3A_221 = vector.load %arg7[%get3A_218, %get3A_219, %get3A_220] : memref<16x16x256xf32, #tpu.memory_space<vmem>>, vector<16x1x256xf32>
      %get3A_222 = vector.shape_cast %get3A_221 : vector<16x1x256xf32> to vector<16x256xf32>
      %get3A_223 = arith.constant 0 : index
      %get3A_224 = arith.constant 13 : index
      %get3A_225 = arith.constant 0 : index
      %get3A_226 = vector.load %arg7[%get3A_223, %get3A_224, %get3A_225] : memref<16x16x256xf32, #tpu.memory_space<vmem>>, vector<16x1x256xf32>
      %get3A_227 = vector.shape_cast %get3A_226 : vector<16x1x256xf32> to vector<16x256xf32>
      %concatenate3A_228 = tpu.concatenate %get3A_222, %get3A_227 in 0 : vector<16x256xf32>, vector<16x256xf32> -> vector<32x256xf32>
      %get3A_229 = arith.constant 5 : index
      %get3A_230 = arith.constant 0 : index
      %get3A_231 = arith.constant 0 : index
      %get3A_232 = vector.load %arg2[%get3A_229, %get3A_230, %get3A_231] : memref<8x256x256xf32, #tpu.memory_space<vmem>>, vector<1x256x256xf32>
      %get3A_233 = vector.shape_cast %get3A_232 : vector<1x256x256xf32> to vector<256x256xf32>
      %dot_general3A_234 = arith.constant dense<0.000000e+00> : vector<32x256xf32>
      %dot_general3A_235 = tpu.matmul %concatenate3A_228, %get3A_233, %dot_general3A_234 {dimension_numbers = #tpu.dot_dimension_numbers<[1], [0], [0], [1], [0, 0, 1, 1], [], []>, transpose_lhs_hint = false} : vector<32x256xf32>, vector<256x256xf32>, vector<32x256xf32> -> vector<32x256xf32>
      %get3A_236 = arith.constant 5 : index
      %get3A_237 = arith.constant 0 : index
      %get3A_238 = arith.constant 0 : index
      %get3A_239 = vector.load %arg3[%get3A_236, %get3A_237, %get3A_238] : memref<8x256x256xf32, #tpu.memory_space<vmem>>, vector<1x256x256xf32>
      %get3A_240 = vector.shape_cast %get3A_239 : vector<1x256x256xf32> to vector<256x256xf32>
      %dot_general3A_241 = arith.constant dense<0.000000e+00> : vector<32x256xf32>
      %dot_general3A_242 = tpu.matmul %concatenate3A_228, %get3A_240, %dot_general3A_241 {dimension_numbers = #tpu.dot_dimension_numbers<[1], [0], [0], [1], [0, 0, 1, 1], [], []>, transpose_lhs_hint = false} : vector<32x256xf32>, vector<256x256xf32>, vector<32x256xf32> -> vector<32x256xf32>
      %slice3A_243 = vector.extract_strided_slice %dot_general3A_235 {offsets = [0, 0], sizes = [16, 256], strides = [1, 1]} : vector<32x256xf32> to vector<16x256xf32>
      %slice3A_244 = vector.extract_strided_slice %dot_general3A_242 {offsets = [16, 0], sizes = [16, 256], strides = [1, 1]} : vector<32x256xf32> to vector<16x256xf32>
      %sub3A_245 = arith.subf %slice3A_243, %slice3A_244 : vector<16x256xf32>
      %swap3A_246 = arith.constant 0 : index
      %swap3A_247 = arith.constant 5 : index
      %swap3A_248 = arith.constant 0 : index
      %swap3A_249 = vector.load %arg8[%swap3A_246, %swap3A_247, %swap3A_248] : memref<16x16x256xf32, #tpu.memory_space<vmem>>, vector<16x1x256xf32>
      %swap3A_250 = vector.shape_cast %swap3A_249 : vector<16x1x256xf32> to vector<16x256xf32>
      %swap3A_251 = vector.shape_cast %sub3A_245 : vector<16x256xf32> to vector<16x1x256xf32>
      tpu.vector_store %arg8[%swap3A_246, %swap3A_247, %swap3A_248], %swap3A_251 {strides = array<i32>} : memref<16x16x256xf32, #tpu.memory_space<vmem>>, vector<16x1x256xf32>,
      %slice3A_252 = vector.extract_strided_slice %dot_general3A_242 {offsets = [0, 0], sizes = [16, 256], strides = [1, 1]} : vector<32x256xf32> to vector<16x256xf32>
      %slice3A_253 = vector.extract_strided_slice %dot_general3A_235 {offsets = [16, 0], sizes = [16, 256], strides = [1, 1]} : vector<32x256xf32> to vector<16x256xf32>
      %add3A_254 = arith.addf %slice3A_252, %slice3A_253 : vector<16x256xf32>
      %swap3A_255 = arith.constant 0 : index
      %swap3A_256 = arith.constant 13 : index
      %swap3A_257 = arith.constant 0 : index
      %swap3A_258 = vector.load %arg8[%swap3A_255, %swap3A_256, %swap3A_257] : memref<16x16x256xf32, #tpu.memory_space<vmem>>, vector<16x1x256xf32>
      %swap3A_259 = vector.shape_cast %swap3A_258 : vector<16x1x256xf32> to vector<16x256xf32>
      %swap3A_260 = vector.shape_cast %add3A_254 : vector<16x256xf32> to vector<16x1x256xf32>
      tpu.vector_store %arg8[%swap3A_255, %swap3A_256, %swap3A_257], %swap3A_260 {strides = array<i32>} : memref<16x16x256xf32, #tpu.memory_space<vmem>>, vector<16x1x256xf32>,
      %get3A_261 = arith.constant 0 : index
      %get3A_262 = arith.constant 6 : index
      %get3A_263 = arith.constant 0 : index
      %get3A_264 = vector.load %arg7[%get3A_261, %get3A_262, %get3A_263] : memref<16x16x256xf32, #tpu.memory_space<vmem>>, vector<16x1x256xf32>
      %get3A_265 = vector.shape_cast %get3A_264 : vector<16x1x256xf32> to vector<16x256xf32>
      %get3A_266 = arith.constant 0 : index
      %get3A_267 = arith.constant 14 : index
      %get3A_268 = arith.constant 0 : index
      %get3A_269 = vector.load %arg7[%get3A_266, %get3A_267, %get3A_268] : memref<16x16x256xf32, #tpu.memory_space<vmem>>, vector<16x1x256xf32>
      %get3A_270 = vector.shape_cast %get3A_269 : vector<16x1x256xf32> to vector<16x256xf32>
      %concatenate3A_271 = tpu.concatenate %get3A_265, %get3A_270 in 0 : vector<16x256xf32>, vector<16x256xf32> -> vector<32x256xf32>
      %get3A_272 = arith.constant 6 : index
      %get3A_273 = arith.constant 0 : index
      %get3A_274 = arith.constant 0 : index
      %get3A_275 = vector.load %arg2[%get3A_272, %get3A_273, %get3A_274] : memref<8x256x256xf32, #tpu.memory_space<vmem>>, vector<1x256x256xf32>
      %get3A_276 = vector.shape_cast %get3A_275 : vector<1x256x256xf32> to vector<256x256xf32>
      %dot_general3A_277 = arith.constant dense<0.000000e+00> : vector<32x256xf32>
      %dot_general3A_278 = tpu.matmul %concatenate3A_271, %get3A_276, %dot_general3A_277 {dimension_numbers = #tpu.dot_dimension_numbers<[1], [0], [0], [1], [0, 0, 1, 1], [], []>, transpose_lhs_hint = false} : vector<32x256xf32>, vector<256x256xf32>, vector<32x256xf32> -> vector<32x256xf32>
      %get3A_279 = arith.constant 6 : index
      %get3A_280 = arith.constant 0 : index
      %get3A_281 = arith.constant 0 : index
      %get3A_282 = vector.load %arg3[%get3A_279, %get3A_280, %get3A_281] : memref<8x256x256xf32, #tpu.memory_space<vmem>>, vector<1x256x256xf32>
      %get3A_283 = vector.shape_cast %get3A_282 : vector<1x256x256xf32> to vector<256x256xf32>
      %dot_general3A_284 = arith.constant dense<0.000000e+00> : vector<32x256xf32>
      %dot_general3A_285 = tpu.matmul %concatenate3A_271, %get3A_283, %dot_general3A_284 {dimension_numbers = #tpu.dot_dimension_numbers<[1], [0], [0], [1], [0, 0, 1, 1], [], []>, transpose_lhs_hint = false} : vector<32x256xf32>, vector<256x256xf32>, vector<32x256xf32> -> vector<32x256xf32>
      %slice3A_286 = vector.extract_strided_slice %dot_general3A_278 {offsets = [0, 0], sizes = [16, 256], strides = [1, 1]} : vector<32x256xf32> to vector<16x256xf32>
      %slice3A_287 = vector.extract_strided_slice %dot_general3A_285 {offsets = [16, 0], sizes = [16, 256], strides = [1, 1]} : vector<32x256xf32> to vector<16x256xf32>
      %sub3A_288 = arith.subf %slice3A_286, %slice3A_287 : vector<16x256xf32>
      %swap3A_289 = arith.constant 0 : index
      %swap3A_290 = arith.constant 6 : index
      %swap3A_291 = arith.constant 0 : index
      %swap3A_292 = vector.load %arg8[%swap3A_289, %swap3A_290, %swap3A_291] : memref<16x16x256xf32, #tpu.memory_space<vmem>>, vector<16x1x256xf32>
      %swap3A_293 = vector.shape_cast %swap3A_292 : vector<16x1x256xf32> to vector<16x256xf32>
      %swap3A_294 = vector.shape_cast %sub3A_288 : vector<16x256xf32> to vector<16x1x256xf32>
      tpu.vector_store %arg8[%swap3A_289, %swap3A_290, %swap3A_291], %swap3A_294 {strides = array<i32>} : memref<16x16x256xf32, #tpu.memory_space<vmem>>, vector<16x1x256xf32>,
      %slice3A_295 = vector.extract_strided_slice %dot_general3A_285 {offsets = [0, 0], sizes = [16, 256], strides = [1, 1]} : vector<32x256xf32> to vector<16x256xf32>
      %slice3A_296 = vector.extract_strided_slice %dot_general3A_278 {offsets = [16, 0], sizes = [16, 256], strides = [1, 1]} : vector<32x256xf32> to vector<16x256xf32>
      %add3A_297 = arith.addf %slice3A_295, %slice3A_296 : vector<16x256xf32>
      %swap3A_298 = arith.constant 0 : index
      %swap3A_299 = arith.constant 14 : index
      %swap3A_300 = arith.constant 0 : index
      %swap3A_301 = vector.load %arg8[%swap3A_298, %swap3A_299, %swap3A_300] : memref<16x16x256xf32, #tpu.memory_space<vmem>>, vector<16x1x256xf32>
      %swap3A_302 = vector.shape_cast %swap3A_301 : vector<16x1x256xf32> to vector<16x256xf32>
      %swap3A_303 = vector.shape_cast %add3A_297 : vector<16x256xf32> to vector<16x1x256xf32>
      tpu.vector_store %arg8[%swap3A_298, %swap3A_299, %swap3A_300], %swap3A_303 {strides = array<i32>} : memref<16x16x256xf32, #tpu.memory_space<vmem>>, vector<16x1x256xf32>,
      %get3A_304 = arith.constant 0 : index
      %get3A_305 = arith.constant 7 : index
      %get3A_306 = arith.constant 0 : index
      %get3A_307 = vector.load %arg7[%get3A_304, %get3A_305, %get3A_306] : memref<16x16x256xf32, #tpu.memory_space<vmem>>, vector<16x1x256xf32>
      %get3A_308 = vector.shape_cast %get3A_307 : vector<16x1x256xf32> to vector<16x256xf32>
      %get3A_309 = arith.constant 0 : index
      %get3A_310 = arith.constant 15 : index
      %get3A_311 = arith.constant 0 : index
      %get3A_312 = vector.load %arg7[%get3A_309, %get3A_310, %get3A_311] : memref<16x16x256xf32, #tpu.memory_space<vmem>>, vector<16x1x256xf32>
      %get3A_313 = vector.shape_cast %get3A_312 : vector<16x1x256xf32> to vector<16x256xf32>
      %concatenate3A_314 = tpu.concatenate %get3A_308, %get3A_313 in 0 : vector<16x256xf32>, vector<16x256xf32> -> vector<32x256xf32>
      %get3A_315 = arith.constant 7 : index
      %get3A_316 = arith.constant 0 : index
      %get3A_317 = arith.constant 0 : index
      %get3A_318 = vector.load %arg2[%get3A_315, %get3A_316, %get3A_317] : memref<8x256x256xf32, #tpu.memory_space<vmem>>, vector<1x256x256xf32>
      %get3A_319 = vector.shape_cast %get3A_318 : vector<1x256x256xf32> to vector<256x256xf32>
      %dot_general3A_320 = arith.constant dense<0.000000e+00> : vector<32x256xf32>
      %dot_general3A_321 = tpu.matmul %concatenate3A_314, %get3A_319, %dot_general3A_320 {dimension_numbers = #tpu.dot_dimension_numbers<[1], [0], [0], [1], [0, 0, 1, 1], [], []>, transpose_lhs_hint = false} : vector<32x256xf32>, vector<256x256xf32>, vector<32x256xf32> -> vector<32x256xf32>
      %get3A_322 = arith.constant 7 : index
      %get3A_323 = arith.constant 0 : index
      %get3A_324 = arith.constant 0 : index
      %get3A_325 = vector.load %arg3[%get3A_322, %get3A_323, %get3A_324] : memref<8x256x256xf32, #tpu.memory_space<vmem>>, vector<1x256x256xf32>
      %get3A_326 = vector.shape_cast %get3A_325 : vector<1x256x256xf32> to vector<256x256xf32>
      %dot_general3A_327 = arith.constant dense<0.000000e+00> : vector<32x256xf32>
      %dot_general3A_328 = tpu.matmul %concatenate3A_314, %get3A_326, %dot_general3A_327 {dimension_numbers = #tpu.dot_dimension_numbers<[1], [0], [0], [1], [0, 0, 1, 1], [], []>, transpose_lhs_hint = false} : vector<32x256xf32>, vector<256x256xf32>, vector<32x256xf32> -> vector<32x256xf32>
      %slice3A_329 = vector.extract_strided_slice %dot_general3A_321 {offsets = [0, 0], sizes = [16, 256], strides = [1, 1]} : vector<32x256xf32> to vector<16x256xf32>
      %slice3A_330 = vector.extract_strided_slice %dot_general3A_328 {offsets = [16, 0], sizes = [16, 256], strides = [1, 1]} : vector<32x256xf32> to vector<16x256xf32>
      %sub3A_331 = arith.subf %slice3A_329, %slice3A_330 : vector<16x256xf32>
      %swap3A_332 = arith.constant 0 : index
      %swap3A_333 = arith.constant 7 : index
      %swap3A_334 = arith.constant 0 : index
      %swap3A_335 = vector.load %arg8[%swap3A_332, %swap3A_333, %swap3A_334] : memref<16x16x256xf32, #tpu.memory_space<vmem>>, vector<16x1x256xf32>
      %swap3A_336 = vector.shape_cast %swap3A_335 : vector<16x1x256xf32> to vector<16x256xf32>
      %swap3A_337 = vector.shape_cast %sub3A_331 : vector<16x256xf32> to vector<16x1x256xf32>
      tpu.vector_store %arg8[%swap3A_332, %swap3A_333, %swap3A_334], %swap3A_337 {strides = array<i32>} : memref<16x16x256xf32, #tpu.memory_space<vmem>>, vector<16x1x256xf32>,
      %slice3A_338 = vector.extract_strided_slice %dot_general3A_328 {offsets = [0, 0], sizes = [16, 256], strides = [1, 1]} : vector<32x256xf32> to vector<16x256xf32>
      %slice3A_339 = vector.extract_strided_slice %dot_general3A_321 {offsets = [16, 0], sizes = [16, 256], strides = [1, 1]} : vector<32x256xf32> to vector<16x256xf32>
      %add3A_340 = arith.addf %slice3A_338, %slice3A_339 : vector<16x256xf32>
      %swap3A_341 = arith.constant 0 : index
      %swap3A_342 = arith.constant 15 : index
      %swap3A_343 = arith.constant 0 : index
      %swap3A_344 = vector.load %arg8[%swap3A_341, %swap3A_342, %swap3A_343] : memref<16x16x256xf32, #tpu.memory_space<vmem>>, vector<16x1x256xf32>
      %swap3A_345 = vector.shape_cast %swap3A_344 : vector<16x1x256xf32> to vector<16x256xf32>
      %swap3A_346 = vector.shape_cast %add3A_340 : vector<16x256xf32> to vector<16x1x256xf32>
      tpu.vector_store %arg8[%swap3A_341, %swap3A_342, %swap3A_343], %swap3A_346 {strides = array<i32>} : memref<16x16x256xf32, #tpu.memory_space<vmem>>, vector<16x1x256xf32>,
    } else {
    }
    %gt3A = arith.constant 16 : i32
    %gt3A_6 = arith.cmpi sgt, %arg0, %gt3A : i32
    %convert_element_type3A_7 = arith.extui %gt3A_6 : i1 to i32
    %cond3A_8 = arith.constant 0 : i32
    %cond3A_9 = arith.cmpi ne, %convert_element_type3A_7, %cond3A_8 : i32
    scf.if %cond3A_9 {
      %sub3A = arith.constant 16 : i32
      %sub3A_10 = arith.subi %arg0, %sub3A : i32
      %sub3A_11 = arith.constant 1 : i32
      %sub3A_12 = arith.subi %sub3A_10, %sub3A_11 : i32
      %get3A = arith.index_cast %sub3A_12 : i32 to index
      %get3A_13 = arith.constant 0 : index
      %get3A_14 = arith.constant 0 : index
      %get3A_15 = vector.load %arg8[%get3A, %get3A_13, %get3A_14] : memref<16x16x256xf32, #tpu.memory_space<vmem>>, vector<1x16x256xf32>
      %squeeze3A = vector.shape_cast %get3A_15 : vector<1x16x256xf32> to vector<16x256xf32>
      %convert_element_type3A_16 = arith.truncf %squeeze3A : vector<16x256xf32> to vector<16x256xbf16>
      %convert_element_type3A_17 = arith.extf %convert_element_type3A_16 : vector<16x256xbf16> to vector<16x256xf32>
      %sub3A_18 = arith.subf %squeeze3A, %convert_element_type3A_17 : vector<16x256xf32>
      %concatenate3A = tpu.concatenate %convert_element_type3A_17, %convert_element_type3A_17, %sub3A_18 in 0 : vector<16x256xf32>, vector<16x256xf32>, vector<16x256xf32> -> vector<48x256xf32>
      %get3A_19 = arith.constant 0 : index
      %get3A_20 = arith.constant 0 : index
      %get3A_21 = vector.load %arg5[%get3A_19, %get3A_20] : memref<4096x48xf32, #tpu.memory_space<vmem>>, vector<4096x48xf32>
      %dot_general3A = arith.constant dense<0.000000e+00> : vector<4096x256xf32>
      %dot_general3A_22 = tpu.matmul %get3A_21, %concatenate3A, %dot_general3A {dimension_numbers = #tpu.dot_dimension_numbers<[1], [0], [0], [1], [0, 0, 1, 1], [], []>, transpose_lhs_hint = false} : vector<4096x48xf32>, vector<48x256xf32>, vector<4096x256xf32> -> vector<4096x256xf32>
      %swap3A = arith.constant 0 : index
      %swap3A_23 = arith.constant 0 : index
      %swap3A_24 = arith.constant 0 : index
      %swap3A_25 = vector.load %arg6[%swap3A, %swap3A_23, %swap3A_24] : memref<1x4096x256xf32, #tpu.memory_space<vmem>>, vector<1x4096x256xf32>
      %swap3A_26 = vector.shape_cast %swap3A_25 : vector<1x4096x256xf32> to vector<4096x256xf32>
      %swap3A_27 = vector.shape_cast %dot_general3A_22 : vector<4096x256xf32> to vector<1x4096x256xf32>
      tpu.vector_store %arg6[%swap3A, %swap3A_23, %swap3A_24], %swap3A_27 {strides = array<i32>} : memref<1x4096x256xf32, #tpu.memory_space<vmem>>, vector<1x4096x256xf32>,
    } else {
    }
    return
  }
  func.func @transform_0(%arg0: i32) -> (i32, i32, i32) {
    %min3A = arith.constant 15 : i32
    %min3A_0 = arith.minsi %arg0, %min3A : i32
    %jit3A = arith.constant 8 : i32
    %div3A = arith.divsi %min3A_0, %jit3A : i32
    %sign3A = arith.constant 0 : i32
    %sign3A_1 = arith.cmpi sgt, %min3A_0, %sign3A : i32
    %sign3A_2 = arith.extui %sign3A_1 : i1 to i32
    %sign3A_3 = arith.constant 0 : i32
    %sign3A_4 = arith.cmpi slt, %min3A_0, %sign3A_3 : i32
    %sign3A_5 = arith.extui %sign3A_4 : i1 to i32
    %sign3A_6 = arith.subi %sign3A_2, %sign3A_5 : i32
    %sign3A_7 = arith.constant 0 : i32
    %sign3A_8 = arith.cmpi sgt, %jit3A, %sign3A_7 : i32
    %sign3A_9 = arith.extui %sign3A_8 : i1 to i32
    %sign3A_10 = arith.constant 0 : i32
    %sign3A_11 = arith.cmpi slt, %jit3A, %sign3A_10 : i32
    %sign3A_12 = arith.extui %sign3A_11 : i1 to i32
    %sign3A_13 = arith.subi %sign3A_9, %sign3A_12 : i32
    %ne3A = arith.cmpi ne, %sign3A_6, %sign3A_13 : i32
    %rem3A = arith.remsi %min3A_0, %jit3A : i32
    %ne3A_14 = arith.constant 0 : i32
    %ne3A_15 = arith.cmpi ne, %rem3A, %ne3A_14 : i32
    %and3A = arith.andi %ne3A, %ne3A_15 : i1
    %sub3A = arith.constant 1 : i32
    %sub3A_16 = arith.subi %div3A, %sub3A : i32
    %select_n3A = arith.select %and3A, %sub3A_16, %div3A : i32
    %min3A_17 = arith.constant 15 : i32
    %min3A_18 = arith.minsi %arg0, %min3A_17 : i32
    %jit3A_19 = arith.constant 8 : i32
    %eq3A = arith.constant 0 : i32
    %eq3A_20 = arith.cmpi eq, %jit3A_19, %eq3A : i32
    %jit3A_21 = arith.constant 1 : i32
    %select_n3A_22 = arith.select %eq3A_20, %jit3A_21, %jit3A_19 : i32
    %rem3A_23 = arith.remsi %min3A_18, %select_n3A_22 : i32
    %ne3A_24 = arith.constant 0 : i32
    %ne3A_25 = arith.cmpi ne, %rem3A_23, %ne3A_24 : i32
    %lt3A = arith.constant 0 : i32
    %lt3A_26 = arith.cmpi slt, %rem3A_23, %lt3A : i32
    %lt3A_27 = arith.constant 0 : i32
    %lt3A_28 = arith.cmpi slt, %select_n3A_22, %lt3A_27 : i32
    %ne3A_29 = arith.xori %lt3A_26, %lt3A_28 : i1
    %and3A_30 = arith.andi %ne3A_29, %ne3A_25 : i1
    %add3A = arith.addi %rem3A_23, %select_n3A_22 : i32
    %select_n3A_31 = arith.select %and3A_30, %add3A, %rem3A_23 : i32
    %c0_i32 = arith.constant 0 : i32
    %c0_i32_32 = arith.constant 0 : i32
    return %select_n3A, %c0_i32, %select_n3A_31 : i32, i32, i32
  }
  func.func @transform_1(%arg0: i32) -> (i32, i32, i32) {
    %c0_i32 = arith.constant 0 : i32
    %c0_i32_0 = arith.constant 0 : i32
    %c0_i32_1 = arith.constant 0 : i32
    %c0_i32_2 = arith.constant 0 : i32
    return %c0_i32, %c0_i32_0, %c0_i32_1 : i32, i32, i32
  }
  func.func @transform_2(%arg0: i32) -> (i32, i32, i32) {
    %c0_i32 = arith.constant 0 : i32
    %c0_i32_0 = arith.constant 0 : i32
    %c0_i32_1 = arith.constant 0 : i32
    %c0_i32_2 = arith.constant 0 : i32
    return %c0_i32, %c0_i32_0, %c0_i32_1 : i32, i32, i32
  }
  func.func @transform_3(%arg0: i32) -> (i32, i32) {
    %c0_i32 = arith.constant 0 : i32
    %c0_i32_0 = arith.constant 0 : i32
    %c0_i32_1 = arith.constant 0 : i32
    return %c0_i32, %c0_i32_0 : i32, i32
  }
  func.func @transform_4(%arg0: i32) -> (i32, i32) {
    %c0_i32 = arith.constant 0 : i32
    %c0_i32_0 = arith.constant 0 : i32
    %c0_i32_1 = arith.constant 0 : i32
    return %c0_i32, %c0_i32_0 : i32, i32
  }
  func.func @transform_5(%arg0: i32) -> (i32, i32, i32) {
    %sub3A = arith.constant 16 : i32
    %sub3A_0 = arith.subi %arg0, %sub3A : i32
    %sub3A_1 = arith.constant 1 : i32
    %sub3A_2 = arith.subi %sub3A_0, %sub3A_1 : i32
    %jit3A = arith.constant 0 : i32
    %jit3A_3 = arith.constant 15 : i32
    %max3A = arith.maxsi %jit3A, %sub3A_2 : i32
    %min3A = arith.minsi %jit3A_3, %max3A : i32
    %jit3A_4 = arith.constant 8 : i32
    %div3A = arith.divsi %min3A, %jit3A_4 : i32
    %sign3A = arith.constant 0 : i32
    %sign3A_5 = arith.cmpi sgt, %min3A, %sign3A : i32
    %sign3A_6 = arith.extui %sign3A_5 : i1 to i32
    %sign3A_7 = arith.constant 0 : i32
    %sign3A_8 = arith.cmpi slt, %min3A, %sign3A_7 : i32
    %sign3A_9 = arith.extui %sign3A_8 : i1 to i32
    %sign3A_10 = arith.subi %sign3A_6, %sign3A_9 : i32
    %sign3A_11 = arith.constant 0 : i32
    %sign3A_12 = arith.cmpi sgt, %jit3A_4, %sign3A_11 : i32
    %sign3A_13 = arith.extui %sign3A_12 : i1 to i32
    %sign3A_14 = arith.constant 0 : i32
    %sign3A_15 = arith.cmpi slt, %jit3A_4, %sign3A_14 : i32
    %sign3A_16 = arith.extui %sign3A_15 : i1 to i32
    %sign3A_17 = arith.subi %sign3A_13, %sign3A_16 : i32
    %ne3A = arith.cmpi ne, %sign3A_10, %sign3A_17 : i32
    %rem3A = arith.remsi %min3A, %jit3A_4 : i32
    %ne3A_18 = arith.constant 0 : i32
    %ne3A_19 = arith.cmpi ne, %rem3A, %ne3A_18 : i32
    %and3A = arith.andi %ne3A, %ne3A_19 : i1
    %sub3A_20 = arith.constant 1 : i32
    %sub3A_21 = arith.subi %div3A, %sub3A_20 : i32
    %select_n3A = arith.select %and3A, %sub3A_21, %div3A : i32
    %sub3A_22 = arith.constant 16 : i32
    %sub3A_23 = arith.subi %arg0, %sub3A_22 : i32
    %sub3A_24 = arith.constant 1 : i32
    %sub3A_25 = arith.subi %sub3A_23, %sub3A_24 : i32
    %jit3A_26 = arith.constant 0 : i32
    %jit3A_27 = arith.constant 15 : i32
    %max3A_28 = arith.maxsi %jit3A_26, %sub3A_25 : i32
    %min3A_29 = arith.minsi %jit3A_27, %max3A_28 : i32
    %jit3A_30 = arith.constant 8 : i32
    %eq3A = arith.constant 0 : i32
    %eq3A_31 = arith.cmpi eq, %jit3A_30, %eq3A : i32
    %jit3A_32 = arith.constant 1 : i32
    %select_n3A_33 = arith.select %eq3A_31, %jit3A_32, %jit3A_30 : i32
    %rem3A_34 = arith.remsi %min3A_29, %select_n3A_33 : i32
    %ne3A_35 = arith.constant 0 : i32
    %ne3A_36 = arith.cmpi ne, %rem3A_34, %ne3A_35 : i32
    %lt3A = arith.constant 0 : i32
    %lt3A_37 = arith.cmpi slt, %rem3A_34, %lt3A : i32
    %lt3A_38 = arith.constant 0 : i32
    %lt3A_39 = arith.cmpi slt, %select_n3A_33, %lt3A_38 : i32
    %ne3A_40 = arith.xori %lt3A_37, %lt3A_39 : i1
    %and3A_41 = arith.andi %ne3A_40, %ne3A_36 : i1
    %add3A = arith.addi %rem3A_34, %select_n3A_33 : i32
    %select_n3A_42 = arith.select %and3A_41, %add3A, %rem3A_34 : i32
    %c0_i32 = arith.constant 0 : i32
    %c0_i32_43 = arith.constant 0 : i32
    return %select_n3A, %c0_i32, %select_n3A_42 : i32, i32, i32
  }
}

</mosaic_0001>

<sc_bundles>
// kernel: sparse-core-data-format-call.cloned.1.call-start
scs
called_computation_lowered:
.L_overlay_start_0:
0x0: {  	s2 =	sld [smem:$0x3FD9]  }
0x1: {  	s3 =	sld [smem:$0x3FFE];
	_ =	sdelay $0x1  }
0x2: {  	s1 =	srdreg.scid  }
0x3: {  	s0 =	sand.u32 $0x1, s1  }
0x4: {  	s18 =	sshll.u32 s0, $0xA;
	s2 =	sadd.s32 s3, s2  }
0x5: {  	s2 =	sadd.s32 s2, s18  }
0x6: {  	[smem:$0x3FC5] =	sst s2  }
0x7: {  	_ = 	snop  }
0x8: {  	s2 =	sld [smem:$0x3FD0];
	(tm) =	ssettm $0x1  }
0x9: {  	s19 =	sld [smem:$0x3FFB];
	_ =	sdelay $0x3  }
0xa: {  	_ =	strace s19  }
0xb: {  	s3 =	sld [smem:$0x3FFC];
	_ =	sdelay $0x3  }
0xc: {  	_ =	strace s3  }
0xd: {  	s3 =	sld [smem:$0x3FFD];
	_ =	sdelay $0x3  }
0xe: {  	_ =	strace s3  }
0xf: {  	_ =	strace $0x8FFFFFFF  }
0x10: {  	s20 =	sld [smem:$0x3FDB];
	_ =	sdelay $0x1  }
0x11: {  	s4 =	simm.s32 $_scs_section_size  }
0x12: {  	s5 =	simm.s32 $_size__tile_overlayer_lowered;
	s6 =	simm.s32 $_tile_overlayer_lowered  }
0x13: {  	s23 =	simm.s32 $0x1BFF;
	s22 =	sshll.u32 s6, $0x1;
	s3 =	sadd.s32 s4, s20  }
0x14: {  	s7 =	simm.s32 $0x0;
	s21 =	sshll.u32 s5, $0x1;
	s5 =	sadd.s32 s22, s3  }
0x15: {  	[timem:s7], [sflag:s23] =	dma.local [hbm:s5], s21  }
0x16: {  	_ =	swait.ge [sflag:s23], s21  }
0x17: {  	s4 =	ssub.s32 $0x0, s21;
	[sflag:s23] =	ssyncset.done $0x0  }
0x18: {  	[sflag:s23] =	ssyncadd.s32 s4;
	_ =	sdelay $0x1  }
0x19: {  	s24 =	simm.s32 $0x1B8B  }
0x1a: {  	_ =	swait.ge [sflag:s24], $0x1  }
0x1b: {  	[sflag:s24] =	ssyncset.done $0x0  }
0x1c: {  	s26 =	simm.s32 $0x1B8E;
	s25 =	sld [smem:$0x3FFE];
	[sflag:s24] =	ssyncadd.s32 $0xFFFFFFFF  }
0x1d: {  	s27 =	simm.s32 $execute0_lowered;
	[smem:$0x3FD2] =	sst s26  }
0x1e: {  	s5 =	sshll.u32 s27, $0x1;
	_ =	strace $0x80000046;
	[dreg:$0x1] =	wrdreg $0xFFFFFFFF  }
0x1f: {  	s28 =	simm.s32 $_size_execute0_lowered;
	s3 =	sadd.s32 s3, s5;
	[dreg:$0x0] =	wrdreg $0x0  }
0x20: {  	s5 =	sshll.u32 s28, $0x1;
	[dreg:$0x2] =	wrdreg s3  }
0x21: {  	[dreg:$0x3] =	wrdreg s5  }
0x22: {  	[dreg:$0x4] =	wrdreg $0xC0  }
0x23: {  	_ =	task [dreg:s7], $0x5FFFF  }
0x24: {  	[dreg:$0x1] =	wrdreg $0xFFFFFFFF  }
0x25: {  	[dreg:$0x0] =	wrdreg $0x60  }
0x26: {  	[dreg:$0x2] =	wrdreg s25  }
0x27: {  	[dreg:$0x3] =	wrdreg s2  }
0x28: {  	[dreg:$0x4] =	wrdreg $0x9  }
0x29: {  	_ =	task.clear_ibuf [dreg:s7], $0x5FFFF;
	_ =	strace $0x90000046  }
0x2a: {  	s29 =	simm.s32 $0x9;
	_ =	strace $0x80000048  }
0x2b: {  	_ =	swait.ge [sflag:s29], $0x1  }
0x2c: {  	[sflag:s29] =	ssyncadd.s32 $0xFFFFFFFF  }
0x2d: {  	_ =	strace $0x90000048  }
0x2e: {  	_ =	sfence  }
0x2f: {  	s30 =	sld [smem:$0x0];
	_ =	sdelay $0x2  }
0x30: {  	s31 =	sshll.u32 s1, $0xD;
	s1 =	sshrl.u32 s1, $0x2  }
0x31: {  	s3 =	sand.u32 $0x4000, s31;
	s1 =	sadd.s32 s1, s30  }
0x32: {  	s0 =	sor.u32 s3, s0;
	s1 =	sshll.u32 s1, $0x11  }
0x33: {  	s0 =	sor.u32 s1, s0  }
0x34: {  	s0 =	sadd.s32 $0x8F2B, s0  }
0x35: {  	[sflag:s0] =	ssyncadd.remote.s32 $0x1  }
0x36: {  	_ =	sfence.sel $0xFFFF  }
0x37: {  	[dreg:$0x0] =	wrdreg $0xFFFFFFFF;
	(pc) =	sbr.abs _section_cstart, $3  }
0x38: {  	[dreg:$0x1] =	wrdreg $0xFFFFFFFF  }
0x39: {  	_ =	task.clear_ibuf [dreg:s7], $0x2FFFF;
	_ =	strace $0x9FFFFFFF  }
0x3a: {  	(tm) =	ssettm $0x7FFFFFFF  }
0x3b: {  	_ =	shalt  }
tec
execute0_lowered:
.L_overlay_start_1:
0x0: {  	(tag) =	ssettag $0x1  }
0x1: {  	s1 =	rddreg [dreg:$0x0]  }
0x2: {  	s2 =	rddreg [dreg:$0x1]  }
0x3: {  	s0 =	rddreg [dreg:$0x2]  }
0x4: {  	_ =	strace $0x80000047;
	s4 =	srdreg.scid;
	s6 =	simm.s32 $0x2  }
.Ltmp0:
0x5: {  	p0 =	por $0x0, $0x0;
	s9 =	simm.s32 $0x0;
	(pc) =	sbr.rel .LBB1_1-.Ltmp0, $4  }
0x6: {  	s7 =	simm.s32 $0x0;
	s3 =	sadd.s32 $0xC00, s1;
	s5 =	sshll.u32 s4, $0x4  }
0x7: {  	s1 =	stileid.u32;
	s4 =	simm.s32 $0x1;
	s5 =	sand.u32 $0x10, s5  }
0x8: {  	s15 =	simm.s32 $0x0;
	[sflag:s4] =	ssyncpa.u1 $0x0;
	s5 =	sor.u32 s1, s5  }
0x9: {  	[sflag:s6] =	ssyncpa.u1 $0x0;
	s6 =	simm.s32 $0x0;
	s8 =	smov.u32 s5  }
.LBB1_7:
0xa: {  	s11 =	sadd.s32 $0x20, s8  }
0xb: {  	p1 =	slt.u32 s7, $0x2;
	s7 =	sadd.s32 $0x1, s7;
	p2 =	sgt.s32 s11, $0x3FF  }
0xc: {  	s11 =	smov.u32 @p2 s5;
	p2 =	sne.s32 s7, $0x22  }
.Ltmp1:
0xd: {  	_ = 	snop;
	(pc) =	sbr.rel @!p2 .LBB1_8-.Ltmp1, $4  }
0xe: {  	s10 =	simm.s32 @!p1 $0x2  }
0xf: {  	_ =	swait.ge @!p1 [sflag:s10], $0x4000  }
0x10: {  	s9 =	smov.u32 s8;
	[sflag:s10] =	ssyncset.done @!p1 $0x0  }
0x11: {  	p0 =	por !p0, !p0;
	s8 =	smov.u32 s11;
	[sflag:s10] =	ssyncadd.s32 @!p1 $0xFFFFC000  }
.LBB1_1:
0x12: {  	p1 =	sgt.u32 s7, $0x1F  }
0x13: {  	s10 =	sxor.u32 @!p1 $0xFFFFFFFF, s7  }
0x14: {  	s11 =	sshll.u32 @!p1 s8, $0xB;
	s10 =	sshll.u32 @!p1 s10, $0xE  }
0x15: {  	s12 =	simm.s32 @!p1 $0x0;
	s11 =	sadd.s32 @!p1 s3, s11;
	s10 =	sand.u32 @!p1 $0x4000, s10  }
0x16: {  	[tilespmem:s10], [sflag:$0x1] =	stream.linear.gather @!p1 [hbm4b:s11+s12], $0x4000, $0x38;
	[tilespmem:$0x10000] =	vst v63  }
0x17: {  	p1 =	seq.s32 s7, $0x0  }
0x18: {  	p2 =	seq.s32 @!p1 s7, $0x21  }
0x19: {  	p1 =	por p1, p2  }
.Ltmp2:
0x1a: {  	_ = 	snop;
	(pc) =	sbr.rel @p1 .LBB1_7-.Ltmp2, $1  }
0x1b: {  	_ =	sdelay $0x3  }
0x1c: {  	s10 =	simm.s32 $0x1  }
0x1d: {  	_ =	swait.ge [sflag:s4], $0x4000;
	s11 =	sshll.u32 s7, $0xE;
	p1 =	por $0x0, $0x0  }
0x1e: {  	s16 =	simm.s32 $0x0;
	s17 =	simm.s32 $0x0;
	s10 =	simm.s32 @!p0 $0x0  }
0x1f: {  	[sflag:s4] =	ssyncset.done $0x0;
	s13 =	sand.u32 $0x4000, s11;
	s10 =	sshll.u32 s10, $0x10  }
0x20: {  	[sflag:s4] =	ssyncadd.s32 $0xFFFFC000;
	s11 =	sor.u32 $0x8000, s13;
	s14 =	sshrl.u32 s10, $0x2  }
0x21: {  	s10 =	sor.u32 $0x40, s14;
	s12 =	sor.u32 $0x8410, s14;
	s14 =	sadd.s32 $0x8400, s14  }
.LBB1_3:
0x22: {  	v1 =	vld [tilespmem:s10+$0xFFFFFFD0]  }
0x23: {  	v2 =	vld [tilespmem:s10+$0x430]  }
0x24: {  	s18 =	sshll.u32 s17, $0xB;
	v4 =	vld [tilespmem:s10+$0xFFFFFFE0]  }
0x25: {  	v7 =	vld [tilespmem:s10+$0xFFFFFFF0];
	v0 =	vmov s18  }
0x26: {  	v8 =	vld [tilespmem:s10+$0x0]  }
0x27: {  	s30 =	sand.u32 $0x300, s15;
	v9 =	vld [tilespmem:s10+$0x10]  }
0x28: {  	s19 =	sand.u32 $0x80, s15;
	v10 =	vld [tilespmem:s10+$0x20];
	s18 =	sadd.s32 s30, s13  }
0x29: {  	v11 =	vld [tilespmem:s10+$0x30];
	s18 =	sadd.s32 s19, s18;
	s19 =	simm.s32 $0x1;
	[tilespmem:s12+$0x60] =	vst v2  }
0x2a: {  	s31 =	sshll.u32 s16, $0x2;
	s19 =	simm.s32 @!p1 $0x0;
	[tilespmem:s12+$0xFFFFFC00] =	vst v1;
	v3 =	vld.idx.msk [tilespmem:v0+s18+$0x400 ss:$0x1], $0xffff  }
0x2b: {  	v6 =	vld [tilespmem:s10+$0x3D0];
	s19 =	sshll.u32 s19, $0x9;
	[tilespmem:s12+$0xFFFFFC10] =	vst v4;
	s18 =	sand.u32 $0xFFFFFC00, s31  }
0x2c: {  	v5 =	vld [tilespmem:s10+$0x3E0];
	[tilespmem:s12+$0xFFFFFC20] =	vst v7;
	s18 =	sor.u32 s19, s18  }
0x2d: {  	[tilespmem:s12+$0xFFFFFC30] =	vst v8;
	v4 =	vld [tilespmem:s10+$0x400];
	s18 =	sshrl.u32 s18, $0x2  }
0x2e: {  	[tilespmem:s12+$0xFFFFFC40] =	vst v9;
	v1 =	vld [tilespmem:s10+$0x410];
	s18 =	sadd.s32 s18, s14  }
0x2f: {  	[tilespmem:s18+$0x0] =	vst v3;
	v3 =	vld [tilespmem:s10+$0x3F0]  }
0x30: {  	s22 =	simm.s32 $0x80;
	s21 =	simm.s32 $0x100;
	[tilespmem:s12+$0xFFFFFC50] =	vst v10;
	v2 =	vld [tilespmem:s10+$0x420]  }
0x31: {  	s20 =	smov.u32 s12;
	s23 =	sand.u32 $0x300, s22;
	v7 =	vld [tilespmem:s10+$0xFFFFFFC0];
	[tilespmem:s12+$0xFFFFFC60] =	vst v11;
	s19 =	sadd.s32 $0x80, s10  }
.LBB1_4:
0x32: {  	p2 =	sne.s32 s21, $0x380;
	v8 =	vld [tilespmem:s19+$0xFFFFFFD0];
	s22 =	sand.u32 $0x80, s22;
	s23 =	sadd.s32 s23, s13;
	[tilespmem:s20+$0x0] =	vst v6  }
0x33: {  	s23 =	sadd.s32 s22, s23;
	v6 =	vld [tilespmem:s19+$0x430];
	[tilespmem:s20+$0x10] =	vst v5;
	s22 =	smov.u32 s21  }
0x34: {  	v5 =	vld.idx.msk [tilespmem:v0+s23+$0x400 ss:$0x1], $0xffff;
	[tilespmem:s20+$0x20] =	vst v3  }
0x35: {  	v3 =	vld [tilespmem:s19+$0xFFFFFFE0];
	[tilespmem:s20+$0x30] =	vst v4  }
0x36: {  	v4 =	vld [tilespmem:s19+$0xFFFFFFF0];
	[tilespmem:s20+$0xFFFFFBF0] =	vst v7  }
0x37: {  	v7 =	vld [tilespmem:s19+$0x0];
	[tilespmem:s20+$0x40] =	vst v1  }
0x38: {  	v1 =	vld [tilespmem:s19+$0x10];
	[tilespmem:s20+$0x50] =	vst v2;
	s20 =	sadd.s32 $0x800, s20  }
0x39: {  	s18 =	sadd.s32 $0x800, s18;
	v2 =	vld [tilespmem:s19+$0x20];
	[tilespmem:s20+$0x60] =	vst v6  }
0x3a: {  	v9 =	vld [tilespmem:s19+$0x30];
	[tilespmem:s18+$0x0] =	vst v5  }
0x3b: {  	[tilespmem:s20+$0xFFFFFC00] =	vst v8;
	v6 =	vld [tilespmem:s19+$0x3D0]  }
0x3c: {  	[tilespmem:s20+$0xFFFFFC10] =	vst v3;
	v5 =	vld [tilespmem:s19+$0x3E0]  }
.Ltmp3:
0x3d: {  	[tilespmem:s20+$0xFFFFFC20] =	vst v4;
	v3 =	vld [tilespmem:s19+$0x3F0];
	(pc) =	sbr.rel @p2 .LBB1_4-.Ltmp3, $4  }
0x3e: {  	[tilespmem:s20+$0xFFFFFC30] =	vst v7;
	v4 =	vld [tilespmem:s19+$0x400]  }
0x3f: {  	[tilespmem:s20+$0xFFFFFC40] =	vst v1;
	v1 =	vld [tilespmem:s19+$0x410]  }
0x40: {  	[tilespmem:s20+$0xFFFFFC50] =	vst v2;
	v2 =	vld [tilespmem:s19+$0x420]  }
0x41: {  	s21 =	sadd.s32 $0x80, s21;
	s23 =	sand.u32 $0x300, s22;
	v7 =	vld [tilespmem:s19+$0xFFFFFFC0];
	[tilespmem:s20+$0xFFFFFC60] =	vst v9;
	s19 =	sadd.s32 $0x80, s19  }
0x42: {  	[tilespmem:s20+$0x0] =	vst v6  }
0x43: {  	[tilespmem:s20+$0x10] =	vst v5  }
0x44: {  	v49 =	vld [tilespmem:s19+$0x430];
	[tilespmem:s20+$0x20] =	vst v3  }
0x45: {  	v50 =	vld [tilespmem:s19+$0xFFFFFFD0];
	[tilespmem:s20+$0x30] =	vst v4  }
0x46: {  	v51 =	vld [tilespmem:s19+$0xFFFFFFE0];
	[tilespmem:s20+$0x40] =	vst v1  }
0x47: {  	v52 =	vld [tilespmem:s19+$0xFFFFFFF0];
	[tilespmem:s20+$0x50] =	vst v2  }
0x48: {  	s31 =	sadd.s32 $0x800, s20;
	v53 =	vld [tilespmem:s19+$0x0];
	[tilespmem:s20+$0xFFFFFBF0] =	vst v7  }
0x49: {  	v54 =	vld [tilespmem:s19+$0x10];
	[tilespmem:s31+$0x60] =	vst v49  }
0x4a: {  	v55 =	vld [tilespmem:s19+$0x20];
	[tilespmem:s31+$0xFFFFFC00] =	vst v50  }
0x4b: {  	v56 =	vld [tilespmem:s19+$0x30];
	[tilespmem:s31+$0xFFFFFC10] =	vst v51  }
0x4c: {  	v57 =	vld [tilespmem:s19+$0x3D0];
	[tilespmem:s31+$0xFFFFFC20] =	vst v52  }
0x4d: {  	v58 =	vld [tilespmem:s19+$0x3E0];
	[tilespmem:s31+$0xFFFFFC30] =	vst v53  }
0x4e: {  	v59 =	vld [tilespmem:s19+$0x3F0];
	[tilespmem:s31+$0xFFFFFC40] =	vst v54  }
0x4f: {  	v60 =	vld [tilespmem:s19+$0x400];
	[tilespmem:s31+$0xFFFFFC50] =	vst v55  }
0x50: {  	v61 =	vld [tilespmem:s19+$0xFFFFFFC0];
	[tilespmem:s31+$0xFFFFFC60] =	vst v56  }
0x51: {  	s21 =	sand.u32 $0x80, s22;
	s30 =	sadd.s32 s23, s13;
	v62 =	vld [tilespmem:s19+$0x410];
	[tilespmem:s31+$0x0] =	vst v57  }
0x52: {  	v63 =	vld [tilespmem:s19+$0x420];
	s17 =	sadd.s32 $0x1, s17;
	s21 =	sadd.s32 s21, s30;
	[tilespmem:s31+$0x10] =	vst v58  }
0x53: {  	p2 =	sne.s32 s17, $0x8;
	v0 =	vld.idx.msk [tilespmem:v0+s21+$0x400 ss:$0x1], $0xffff;
	[tilespmem:s31+$0x20] =	vst v59  }
.Ltmp4:
0x54: {  	[tilespmem:s31+$0x30] =	vst v60;
	(pc) =	sbr.rel @p2 .LBB1_3-.Ltmp4, $4  }
0x55: {  	[tilespmem:s31+$0xFFFFFBF0] =	vst v61  }
0x56: {  	[tilespmem:s31+$0x40] =	vst v62  }
0x57: {  	s18 =	sadd.s32 $0x800, s18;
	s10 =	sadd.s32 $0x800, s10;
	[tilespmem:s31+$0x50] =	vst v63  }
0x58: {  	s16 =	sadd.s32 $0x80, s16;
	p1 =	por !p1, !p1;
	s12 =	sadd.s32 $0x80, s12;
	[tilespmem:s18+$0x0] =	vst v0  }
.Ltmp5:
0x59: {  	(pc) =	sbr.rel .LBB1_7-.Ltmp5, $4  }
0x5a: {  	_ = 	snop  }
0x5b: {  	s9 =	sshll.u32 s9, $0xB  }
0x5c: {  	s9 =	sadd.s32 s2, s9  }
0x5d: {  	[hbm4b:s9+s6] =	stream.linear.scatter [tilespmem:s11], [sflag:$0x2], $0x4000, $0x38;
	[tilespmem:$0x10000] =	vst v63  }
.LBB1_8:
0x5e: {  	_ =	sfence.sel $0x180000  }
0x5f: {  	s2 =	simm.s32 $0x1;
	[bflag:$0x0] =	sbarrier.arrive $0xFFFF  }
0x60: {  	s31 =	simm.s32 $0x2;
	[sflag:s2] =	ssyncpa.u1 $0x1  }
0x61: {  	[sflag:s31] =	ssyncpa.u1 $0x1  }
0x62: {  	p0 =	sne.s32 s1, $0x0;
	_ =	strace $0x90000047  }
0x63: {  	s0 =	sadd.s32 @!p0 $0x100000, s0;
	[bflag:$0x2] =	sbarrier.arrive $0xFFFF  }
0x64: {  	[sflag:s0] =	ssyncadd.tile.s32 @!p0 $0x1;
	_ =	shalt  }
.Lfunc_end1:
_tile_overlayer_lowered:
.L_overlay_start_2:
0x65: {  	(tag) =	ssettag $0x2  }
0x66: {  	s0 =	rddreg [dreg:$0x0];
	s2 =	stileid.u32  }
0x67: {  	s1 =	rddreg [dreg:$0x1];
	p0 =	sne.s32 s2, $0x0  }
0x68: {  	s3 =	rddreg [dreg:$0x2];
	[bflag:$0x3] =	sbarrier.arrive $0xFFFF;
	s2 =	simm.s32 @!p0 $0x1C01  }
0x69: {  	[timem:s3], [sflag:s2] =	dma.local @!p0 [hbm:s0], s1  }
0x6a: {  	s0 =	simm.s32 @!p0 $0x1  }
0x6b: {  	_ =	swait.ge @!p0 [sflag:s0], s1  }
0x6c: {  	s1 =	ssub.s32 @!p0 $0x0, s1;
	[sflag:s0] =	ssyncset.done @!p0 $0x0  }
0x6d: {  	[sflag:s0] =	ssyncadd.s32 @!p0 s1  }
0x6e: {  	[bflag:$0x3] =	sbarrier.arrive $0xFFFF  }
0x6f: {  	_ =	shalt  }

</sc_bundles>
